<compile_context>
chip_gen: v7x
topology: tpu7x:2x2x1
jax: 0.10.2.dev20260603
libtpu: 0.0.44.dev20260713+nightly
codegen_flags: <defaults>
</compile_context>

<pallas_src>
import functools

import jax
import jax.numpy as jnp
from jax import lax
from jax.experimental import pallas as pl
from jax.experimental.pallas import tpu as pltpu
from jax.experimental.pallas import tpu_sc as plsc

BATCH = 16384
EMB = 32
TILE_H = 8
NGRP = 1000000 // TILE_H
NC = 2
NS = 16
NW = NC * NS
BPW = BATCH // NW
CH = 128
NCH = BPW // CH

_sc_mesh = plsc.VectorSubcoreMesh(core_axis_name="c", subcore_axis_name="s")


@functools.partial(
    pl.kernel,
    out_type=(
        jax.ShapeDtypeStruct((BATCH, EMB), jnp.float32),
        jax.ShapeDtypeStruct((BATCH, EMB), jnp.float32),
    ),
    mesh=_sc_mesh,
    scratch_types=[
        pltpu.SMEM((BPW,), jnp.int32),
        pltpu.SMEM((BPW,), jnp.int32),
        pltpu.VMEM_SHARED((NS, 2 * BPW), jnp.int32),
        pltpu.VMEM((CH, EMB), jnp.float32),
        pltpu.VMEM((CH, EMB), jnp.float32),
        pltpu.SemaphoreType.DMA,
    ],
)
def _sc_gather(u_hbm, v_hbm, uemb_hbm, vemb_hbm, ue_hbm, ve_hbm,
               uidx, vidx, idx_stage, rbu, rbv, sem):
    wid = lax.axis_index("s") * NC + lax.axis_index("c")
    sid = lax.axis_index("s")
    base = wid * BPW
    pltpu.sync_copy(u_hbm.at[wid], idx_stage.at[sid, pl.ds(0, BPW)])
    pltpu.sync_copy(v_hbm.at[wid], idx_stage.at[sid, pl.ds(BPW, BPW)])
    pltpu.sync_copy(idx_stage.at[sid, pl.ds(0, BPW)], uidx)
    pltpu.sync_copy(idx_stage.at[sid, pl.ds(BPW, BPW)], vidx)

    def chunk_body(ch, carry):
        off = ch * CH

        def issue(k, c):
            w = uidx[off + k]
            pltpu.async_copy(
                uemb_hbm.at[lax.shift_right_logical(w, 3), lax.bitwise_and(w, 7)],
                rbu.at[k], sem)
            w = vidx[off + k]
            pltpu.async_copy(
                vemb_hbm.at[lax.shift_right_logical(w, 3), lax.bitwise_and(w, 7)],
                rbv.at[k], sem)
            return c

        lax.fori_loop(0, CH, issue, 0)

        def drain(k, c):
            pltpu.make_async_copy(uemb_hbm.at[0, 0], rbu.at[0], sem).wait()
            pltpu.make_async_copy(vemb_hbm.at[0, 0], rbv.at[0], sem).wait()
            return c

        lax.fori_loop(0, CH, drain, 0)
        pltpu.sync_copy(rbu, ue_hbm.at[pl.ds(base + off, CH)])
        pltpu.sync_copy(rbv, ve_hbm.at[pl.ds(base + off, CH)])
        return carry

    lax.fori_loop(0, NCH, chunk_body, 0)


MLP_BLK = 2048


def _mlp_body(ue, ve, w1a, w1b, b1, w2, b2, w3, b3, w4, b4, w5, b5, out):
    x = jnp.maximum(ue[...] @ w1a[...] + ve[...] @ w1b[...] + b1[...], 0.0)
    x = jnp.maximum(x @ w2[...] + b2[...], 0.0)
    x = jnp.maximum(x @ w3[...] + b3[...], 0.0)
    x = jnp.maximum(x @ w4[...] + b4[...], 0.0)
    out[...] = x @ w5[...] + b5[...]


def _full(shape):
    return pl.BlockSpec(shape, lambda i: (0, 0))


_mlp_call = pl.pallas_call(
    _mlp_body,
    grid=(BATCH // MLP_BLK,),
    in_specs=[
        pl.BlockSpec((MLP_BLK, EMB), lambda i: (i, 0)),
        pl.BlockSpec((MLP_BLK, EMB), lambda i: (i, 0)),
        _full((EMB, 64)), _full((EMB, 64)), _full((1, 64)),
        _full((64, 32)), _full((1, 32)),
        _full((32, 16)), _full((1, 16)),
        _full((16, 8)), _full((1, 8)),
        _full((8, 1)), _full((1, 1)),
    ],
    out_specs=pl.BlockSpec((MLP_BLK, 1), lambda i: (i, 0)),
    out_shape=jax.ShapeDtypeStruct((BATCH, 1), jnp.float32),
)


def kernel(u, v, user_emb, item_emb, W1, b1, W2, b2, W3, b3, W4, b4, W5, b5):
    u = u.astype(jnp.int32).reshape(NW, BPW)
    v = v.astype(jnp.int32).reshape(NW, BPW)
    uemb = user_emb.reshape(NGRP, TILE_H, EMB)
    vemb = item_emb.reshape(NGRP, TILE_H, EMB)
    ue, ve = _sc_gather(u, v, uemb, vemb)
    out = _mlp_call(
        ue, ve,
        W1[:EMB], W1[EMB:], b1.reshape(1, 64),
        W2, b2.reshape(1, 32),
        W3, b3.reshape(1, 16),
        W4, b4.reshape(1, 8),
        W5, b5.reshape(1, 1),
    )
    return jnp.squeeze(out, axis=1)

# --- scband reference (transcript-rebuilt; emitter-appended) ---
"""Pipeline reference for scband-ncf-73804718014516 (READ-ONLY COPY).

The authoritative reference and input builder live on the scoring server;
editing this copy changes nothing except your own understanding.
"""

import jax, jax.numpy as jnp
import numpy as np

N_USERS = 1000000
N_ITEMS = 1000000
EMB_DIM = 32
BATCH = 16384


def setup_inputs(seed: int = 0) -> dict:
    key = jax.random.key(seed)
    ks = jax.random.split(key, 16)
    u = jax.random.randint(ks[0], (BATCH,), 0, N_USERS, dtype=jnp.int64) if jax.config.jax_enable_x64 else jax.random.randint(ks[0], (BATCH,), 0, N_USERS)
    v = jax.random.randint(ks[1], (BATCH,), 0, N_ITEMS)
    user_emb = jax.random.normal(ks[2], (N_USERS, EMB_DIM), dtype=jnp.float32) * 0.05
    item_emb = jax.random.normal(ks[3], (N_ITEMS, EMB_DIM), dtype=jnp.float32) * 0.05
    # MLP dims: in = emb_dim*2 = 64 -> hidden [64, 32, 16, 8] -> 1
    dims = [EMB_DIM * 2, 64, 32, 16, 8, 1]
    params = {}
    for i in range(5):
        fan_in, fan_out = dims[i], dims[i + 1]
        params[f"W{i+1}"] = jax.random.normal(ks[4 + i], (fan_in, fan_out), dtype=jnp.float32) * (1.0 / np.sqrt(fan_in))
        params[f"b{i+1}"] = jnp.zeros((fan_out,), dtype=jnp.float32)
    return {"u": u, "v": v, "user_emb": user_emb, "item_emb": item_emb, **params}


def reference(u, v, user_emb, item_emb, W1, b1, W2, b2, W3, b3, W4, b4, W5, b5):
    ue = jnp.take(user_emb, u, axis=0)
    ve = jnp.take(item_emb, v, axis=0)
    x = jnp.concatenate([ue, ve], axis=1)
    for W, b in ((W1, b1), (W2, b2), (W3, b3), (W4, b4)):
        x = jax.nn.relu(x @ W + b)
    out = x @ W5 + b5
    return jnp.squeeze(out)

if __name__ == "__main__":
    import jax
    _d = setup_inputs()
    print(jax.jit(kernel)(*tuple(_d.values())))

</pallas_src>

<mosaic_0001>
#map = affine_map<(d0, d1) -> (0, 0)>
#map1 = affine_map<(d0, d1) -> (0, 0, 0)>
module attributes {stable_mosaic.version = 14 : i64} {
  func.func @_sc_gather(%arg0: i32, %arg1: i32, %arg2: memref<32x512xi32, #tpu.memory_space<hbm>>, %arg3: memref<32x512xi32, #tpu.memory_space<hbm>>, %arg4: memref<125000x8x32xf32, #tpu.memory_space<hbm>>, %arg5: memref<125000x8x32xf32, #tpu.memory_space<hbm>>, %arg6: memref<16384x32xf32, #tpu.memory_space<hbm>>, %arg7: memref<16384x32xf32, #tpu.memory_space<hbm>>, %arg8: memref<512xi32, #tpu.memory_space<smem>>, %arg9: memref<512xi32, #tpu.memory_space<smem>>, %arg10: memref<16x1024xi32, #tpu.memory_space<vmem_shared>>, %arg11: memref<128x32xf32, #tpu.memory_space<vmem>>, %arg12: memref<128x32xf32, #tpu.memory_space<vmem>>, %arg13: memref<!tpu.dma_semaphore, #tpu.memory_space<semaphore_mem>>) attributes {dimension_semantics = [#tpu.dimension_semantics<core_parallel>, #tpu.dimension_semantics<subcore_parallel>], iteration_bounds = array<i64: 2, 16>, scalar_prefetch = 0 : i64, scratch_operands = 6 : i64, tpu.core_type = #tpu.core_type<sc_vector_subcore>, window_params = [{transform_indices = #map}, {transform_indices = #map}, {transform_indices = #map1}, {transform_indices = #map1}, {transform_indices = #map}, {transform_indices = #map}]} {
    %mul3A = arith.constant 2 : i32
    %mul3A_0 = arith.muli %arg1, %mul3A : i32
    %add3A = arith.addi %mul3A_0, %arg0 : i32
    %mul3A_1 = arith.constant 512 : i32
    %mul3A_2 = arith.muli %add3A, %mul3A_1 : i32
    "tpu.region"() ({
      %run_scoped3A = tpu.sem_alloc : memref<!tpu.dma_semaphore, #tpu.memory_space<semaphore_mem>>
      %dma_start3A = arith.constant 0 : i32
      %dma_start3A_8 = tpu.memref_slice %arg10[%arg1, %dma_start3A] : memref<16x1024xi32, #tpu.memory_space<vmem_shared>> -> memref<1x512xi32, #tpu.memory_space<vmem_shared>>
      %dma_start3A_9 = tpu.memref_squeeze %dma_start3A_8 : memref<1x512xi32, #tpu.memory_space<vmem_shared>> -> memref<512xi32, #tpu.memory_space<vmem_shared>>
      %dma_start3A_10 = arith.constant 0 : i32
      %dma_start3A_11 = tpu.memref_slice %arg2[%add3A, %dma_start3A_10] : memref<32x512xi32, #tpu.memory_space<hbm>> -> memref<1x512xi32, #tpu.memory_space<hbm>>
      %dma_start3A_12 = tpu.memref_squeeze %dma_start3A_11 : memref<1x512xi32, #tpu.memory_space<hbm>> -> memref<512xi32, #tpu.memory_space<hbm>>
      tpu.enqueue_dma source(%dma_start3A_12 : memref<512xi32, #tpu.memory_space<hbm>>) target(%dma_start3A_9 : memref<512xi32, #tpu.memory_space<vmem_shared>>) target_semaphore(%run_scoped3A : memref<!tpu.dma_semaphore, #tpu.memory_space<semaphore_mem>>)
      %dma_wait3A = arith.constant 0 : i32
      %dma_wait3A_13 = tpu.memref_slice %arg10[%arg1, %dma_wait3A] : memref<16x1024xi32, #tpu.memory_space<vmem_shared>> -> memref<1x512xi32, #tpu.memory_space<vmem_shared>>
      %dma_wait3A_14 = tpu.memref_squeeze %dma_wait3A_13 : memref<1x512xi32, #tpu.memory_space<vmem_shared>> -> memref<512xi32, #tpu.memory_space<vmem_shared>>
      %dma_wait3A_15 = arith.constant 0 : i32
      %dma_wait3A_16 = tpu.memref_slice %arg2[%add3A, %dma_wait3A_15] : memref<32x512xi32, #tpu.memory_space<hbm>> -> memref<1x512xi32, #tpu.memory_space<hbm>>
      %dma_wait3A_17 = tpu.memref_squeeze %dma_wait3A_16 : memref<1x512xi32, #tpu.memory_space<hbm>> -> memref<512xi32, #tpu.memory_space<hbm>>
      tpu.wait_dma2 semaphore(%run_scoped3A : memref<!tpu.dma_semaphore, #tpu.memory_space<semaphore_mem>>) src(%dma_wait3A_17 : memref<512xi32, #tpu.memory_space<hbm>>) dst(%dma_wait3A_14 : memref<512xi32, #tpu.memory_space<vmem_shared>>)
      tpu.yield
    }) : () -> ()
    "tpu.region"() ({
      %run_scoped3A = tpu.sem_alloc : memref<!tpu.dma_semaphore, #tpu.memory_space<semaphore_mem>>
      %dma_start3A = arith.constant 512 : i32
      %dma_start3A_8 = tpu.memref_slice %arg10[%arg1, %dma_start3A] : memref<16x1024xi32, #tpu.memory_space<vmem_shared>> -> memref<1x512xi32, #tpu.memory_space<vmem_shared>>
      %dma_start3A_9 = tpu.memref_squeeze %dma_start3A_8 : memref<1x512xi32, #tpu.memory_space<vmem_shared>> -> memref<512xi32, #tpu.memory_space<vmem_shared>>
      %dma_start3A_10 = arith.constant 0 : i32
      %dma_start3A_11 = tpu.memref_slice %arg3[%add3A, %dma_start3A_10] : memref<32x512xi32, #tpu.memory_space<hbm>> -> memref<1x512xi32, #tpu.memory_space<hbm>>
      %dma_start3A_12 = tpu.memref_squeeze %dma_start3A_11 : memref<1x512xi32, #tpu.memory_space<hbm>> -> memref<512xi32, #tpu.memory_space<hbm>>
      tpu.enqueue_dma source(%dma_start3A_12 : memref<512xi32, #tpu.memory_space<hbm>>) target(%dma_start3A_9 : memref<512xi32, #tpu.memory_space<vmem_shared>>) target_semaphore(%run_scoped3A : memref<!tpu.dma_semaphore, #tpu.memory_space<semaphore_mem>>)
      %dma_wait3A = arith.constant 512 : i32
      %dma_wait3A_13 = tpu.memref_slice %arg10[%arg1, %dma_wait3A] : memref<16x1024xi32, #tpu.memory_space<vmem_shared>> -> memref<1x512xi32, #tpu.memory_space<vmem_shared>>
      %dma_wait3A_14 = tpu.memref_squeeze %dma_wait3A_13 : memref<1x512xi32, #tpu.memory_space<vmem_shared>> -> memref<512xi32, #tpu.memory_space<vmem_shared>>
      %dma_wait3A_15 = arith.constant 0 : i32
      %dma_wait3A_16 = tpu.memref_slice %arg3[%add3A, %dma_wait3A_15] : memref<32x512xi32, #tpu.memory_space<hbm>> -> memref<1x512xi32, #tpu.memory_space<hbm>>
      %dma_wait3A_17 = tpu.memref_squeeze %dma_wait3A_16 : memref<1x512xi32, #tpu.memory_space<hbm>> -> memref<512xi32, #tpu.memory_space<hbm>>
      tpu.wait_dma2 semaphore(%run_scoped3A : memref<!tpu.dma_semaphore, #tpu.memory_space<semaphore_mem>>) src(%dma_wait3A_17 : memref<512xi32, #tpu.memory_space<hbm>>) dst(%dma_wait3A_14 : memref<512xi32, #tpu.memory_space<vmem_shared>>)
      tpu.yield
    }) : () -> ()
    "tpu.region"() ({
      %run_scoped3A = tpu.sem_alloc : memref<!tpu.dma_semaphore, #tpu.memory_space<semaphore_mem>>
      %dma_start3A = arith.constant 0 : i32
      %dma_start3A_8 = tpu.memref_slice %arg10[%arg1, %dma_start3A] : memref<16x1024xi32, #tpu.memory_space<vmem_shared>> -> memref<1x512xi32, #tpu.memory_space<vmem_shared>>
      %dma_start3A_9 = tpu.memref_squeeze %dma_start3A_8 : memref<1x512xi32, #tpu.memory_space<vmem_shared>> -> memref<512xi32, #tpu.memory_space<vmem_shared>>
      tpu.enqueue_dma source(%dma_start3A_9 : memref<512xi32, #tpu.memory_space<vmem_shared>>) target(%arg8 : memref<512xi32, #tpu.memory_space<smem>>) target_semaphore(%run_scoped3A : memref<!tpu.dma_semaphore, #tpu.memory_space<semaphore_mem>>)
      %dma_wait3A = arith.constant 0 : i32
      %dma_wait3A_10 = tpu.memref_slice %arg10[%arg1, %dma_wait3A] : memref<16x1024xi32, #tpu.memory_space<vmem_shared>> -> memref<1x512xi32, #tpu.memory_space<vmem_shared>>
      %dma_wait3A_11 = tpu.memref_squeeze %dma_wait3A_10 : memref<1x512xi32, #tpu.memory_space<vmem_shared>> -> memref<512xi32, #tpu.memory_space<vmem_shared>>
      tpu.wait_dma2 semaphore(%run_scoped3A : memref<!tpu.dma_semaphore, #tpu.memory_space<semaphore_mem>>) src(%dma_wait3A_11 : memref<512xi32, #tpu.memory_space<vmem_shared>>) dst(%arg8 : memref<512xi32, #tpu.memory_space<smem>>)
      tpu.yield
    }) : () -> ()
    "tpu.region"() ({
      %run_scoped3A = tpu.sem_alloc : memref<!tpu.dma_semaphore, #tpu.memory_space<semaphore_mem>>
      %dma_start3A = arith.constant 512 : i32
      %dma_start3A_8 = tpu.memref_slice %arg10[%arg1, %dma_start3A] : memref<16x1024xi32, #tpu.memory_space<vmem_shared>> -> memref<1x512xi32, #tpu.memory_space<vmem_shared>>
      %dma_start3A_9 = tpu.memref_squeeze %dma_start3A_8 : memref<1x512xi32, #tpu.memory_space<vmem_shared>> -> memref<512xi32, #tpu.memory_space<vmem_shared>>
      tpu.enqueue_dma source(%dma_start3A_9 : memref<512xi32, #tpu.memory_space<vmem_shared>>) target(%arg9 : memref<512xi32, #tpu.memory_space<smem>>) target_semaphore(%run_scoped3A : memref<!tpu.dma_semaphore, #tpu.memory_space<semaphore_mem>>)
      %dma_wait3A = arith.constant 512 : i32
      %dma_wait3A_10 = tpu.memref_slice %arg10[%arg1, %dma_wait3A] : memref<16x1024xi32, #tpu.memory_space<vmem_shared>> -> memref<1x512xi32, #tpu.memory_space<vmem_shared>>
      %dma_wait3A_11 = tpu.memref_squeeze %dma_wait3A_10 : memref<1x512xi32, #tpu.memory_space<vmem_shared>> -> memref<512xi32, #tpu.memory_space<vmem_shared>>
      tpu.wait_dma2 semaphore(%run_scoped3A : memref<!tpu.dma_semaphore, #tpu.memory_space<semaphore_mem>>) src(%dma_wait3A_11 : memref<512xi32, #tpu.memory_space<vmem_shared>>) dst(%arg9 : memref<512xi32, #tpu.memory_space<smem>>)
      tpu.yield
    }) : () -> ()
    %scan3A = arith.constant 0 : i32
    %scan3A_3 = arith.constant 0 : i32
    %scan3A_4 = arith.constant 4 : i32
    %scan3A_5 = arith.addi %scan3A_3, %scan3A_4 : i32
    %scan3A_6 = arith.constant 1 : i32
    scf.for %scan3A_8 = %scan3A_3 to %scan3A_5 step %scan3A_6  : i32 {
      %mul3A_9 = arith.constant 128 : i32
      %mul3A_10 = arith.muli %scan3A_8, %mul3A_9 : i32
      %scan3A_11 = arith.constant 0 : i32
      %scan3A_12 = arith.constant 0 : i32
      %scan3A_13 = arith.constant 128 : i32
      %scan3A_14 = arith.addi %scan3A_12, %scan3A_13 : i32
      %scan3A_15 = arith.constant 1 : i32
      scf.for %scan3A_25 = %scan3A_12 to %scan3A_14 step %scan3A_15  : i32 {
        %add3A_26 = arith.addi %mul3A_10, %scan3A_25 : i32
        %get3A = arith.index_cast %add3A_26 : i32 to index
        %get3A_27 = memref.load %arg8[%get3A] : memref<512xi32, #tpu.memory_space<smem>>
        %shift_right_logical3A = arith.constant 3 : i32
        %shift_right_logical3A_28 = arith.shrui %get3A_27, %shift_right_logical3A : i32
        %and3A = arith.constant 7 : i32
        %and3A_29 = arith.andi %get3A_27, %and3A : i32
        %dma_start3A = arith.constant 0 : i32
        %dma_start3A_30 = tpu.memref_slice %arg11[%scan3A_25, %dma_start3A] : memref<128x32xf32, #tpu.memory_space<vmem>> -> memref<1x32xf32, #tpu.memory_space<vmem>>
        %dma_start3A_31 = tpu.memref_squeeze %dma_start3A_30 : memref<1x32xf32, #tpu.memory_space<vmem>> -> memref<32xf32, #tpu.memory_space<vmem>>
        %dma_start3A_32 = arith.constant 0 : i32
        %dma_start3A_33 = tpu.memref_slice %arg4[%shift_right_logical3A_28, %and3A_29, %dma_start3A_32] : memref<125000x8x32xf32, #tpu.memory_space<hbm>> -> memref<1x1x32xf32, #tpu.memory_space<hbm>>
        %dma_start3A_34 = tpu.memref_squeeze %dma_start3A_33 : memref<1x1x32xf32, #tpu.memory_space<hbm>> -> memref<32xf32, #tpu.memory_space<hbm>>
        %dma_start3A_35 = arith.constant 0 : i32
        %dma_start3A_36 = tpu.memref_slice %arg11[%scan3A_25, %dma_start3A_35] : memref<128x32xf32, #tpu.memory_space<vmem>> -> memref<1x32xf32, #tpu.memory_space<vmem>>
        %dma_start3A_37 = tpu.memref_squeeze %dma_start3A_36 : memref<1x32xf32, #tpu.memory_space<vmem>> -> memref<32xf32, #tpu.memory_space<vmem>>
        %dma_start3A_38 = arith.constant 0 : i32
        %dma_start3A_39 = tpu.memref_slice %arg4[%shift_right_logical3A_28, %and3A_29, %dma_start3A_38] : memref<125000x8x32xf32, #tpu.memory_space<hbm>> -> memref<1x1x32xf32, #tpu.memory_space<hbm>>
        %dma_start3A_40 = tpu.memref_squeeze %dma_start3A_39 : memref<1x1x32xf32, #tpu.memory_space<hbm>> -> memref<32xf32, #tpu.memory_space<hbm>>
        tpu.enqueue_dma source(%dma_start3A_40 : memref<32xf32, #tpu.memory_space<hbm>>) target(%dma_start3A_37 : memref<32xf32, #tpu.memory_space<vmem>>) target_semaphore(%arg13 : memref<!tpu.dma_semaphore, #tpu.memory_space<semaphore_mem>>)
        %add3A_41 = arith.addi %mul3A_10, %scan3A_25 : i32
        %get3A_42 = arith.index_cast %add3A_41 : i32 to index
        %get3A_43 = memref.load %arg9[%get3A_42] : memref<512xi32, #tpu.memory_space<smem>>
        %shift_right_logical3A_44 = arith.constant 3 : i32
        %shift_right_logical3A_45 = arith.shrui %get3A_43, %shift_right_logical3A_44 : i32
        %and3A_46 = arith.constant 7 : i32
        %and3A_47 = arith.andi %get3A_43, %and3A_46 : i32
        %dma_start3A_48 = arith.constant 0 : i32
        %dma_start3A_49 = tpu.memref_slice %arg12[%scan3A_25, %dma_start3A_48] : memref<128x32xf32, #tpu.memory_space<vmem>> -> memref<1x32xf32, #tpu.memory_space<vmem>>
        %dma_start3A_50 = tpu.memref_squeeze %dma_start3A_49 : memref<1x32xf32, #tpu.memory_space<vmem>> -> memref<32xf32, #tpu.memory_space<vmem>>
        %dma_start3A_51 = arith.constant 0 : i32
        %dma_start3A_52 = tpu.memref_slice %arg5[%shift_right_logical3A_45, %and3A_47, %dma_start3A_51] : memref<125000x8x32xf32, #tpu.memory_space<hbm>> -> memref<1x1x32xf32, #tpu.memory_space<hbm>>
        %dma_start3A_53 = tpu.memref_squeeze %dma_start3A_52 : memref<1x1x32xf32, #tpu.memory_space<hbm>> -> memref<32xf32, #tpu.memory_space<hbm>>
        %dma_start3A_54 = arith.constant 0 : i32
        %dma_start3A_55 = tpu.memref_slice %arg12[%scan3A_25, %dma_start3A_54] : memref<128x32xf32, #tpu.memory_space<vmem>> -> memref<1x32xf32, #tpu.memory_space<vmem>>
        %dma_start3A_56 = tpu.memref_squeeze %dma_start3A_55 : memref<1x32xf32, #tpu.memory_space<vmem>> -> memref<32xf32, #tpu.memory_space<vmem>>
        %dma_start3A_57 = arith.constant 0 : i32
        %dma_start3A_58 = tpu.memref_slice %arg5[%shift_right_logical3A_45, %and3A_47, %dma_start3A_57] : memref<125000x8x32xf32, #tpu.memory_space<hbm>> -> memref<1x1x32xf32, #tpu.memory_space<hbm>>
        %dma_start3A_59 = tpu.memref_squeeze %dma_start3A_58 : memref<1x1x32xf32, #tpu.memory_space<hbm>> -> memref<32xf32, #tpu.memory_space<hbm>>
        tpu.enqueue_dma source(%dma_start3A_59 : memref<32xf32, #tpu.memory_space<hbm>>) target(%dma_start3A_56 : memref<32xf32, #tpu.memory_space<vmem>>) target_semaphore(%arg13 : memref<!tpu.dma_semaphore, #tpu.memory_space<semaphore_mem>>)
      }
      %scan3A_16 = arith.constant 128 : i32
      %scan3A_17 = arith.constant 0 : i32
      %scan3A_18 = arith.constant 0 : i32
      %scan3A_19 = arith.constant 128 : i32
      %scan3A_20 = arith.addi %scan3A_18, %scan3A_19 : i32
      %scan3A_21 = arith.constant 1 : i32
      scf.for %scan3A_25 = %scan3A_18 to %scan3A_20 step %scan3A_21  : i32 {
        %dma_wait3A = arith.constant 0 : i32
        %dma_wait3A_26 = arith.constant 0 : i32
        %dma_wait3A_27 = arith.constant 0 : i32
        %dma_wait3A_28 = arith.constant 0 : i32
        %dma_wait3A_29 = tpu.memref_slice %arg11[%dma_wait3A_27, %dma_wait3A_28] : memref<128x32xf32, #tpu.memory_space<vmem>> -> memref<1x32xf32, #tpu.memory_space<vmem>>
        %dma_wait3A_30 = tpu.memref_squeeze %dma_wait3A_29 : memref<1x32xf32, #tpu.memory_space<vmem>> -> memref<32xf32, #tpu.memory_space<vmem>>
        %dma_wait3A_31 = arith.constant 0 : i32
        %dma_wait3A_32 = tpu.memref_slice %arg4[%dma_wait3A, %dma_wait3A_26, %dma_wait3A_31] : memref<125000x8x32xf32, #tpu.memory_space<hbm>> -> memref<1x1x32xf32, #tpu.memory_space<hbm>>
        %dma_wait3A_33 = tpu.memref_squeeze %dma_wait3A_32 : memref<1x1x32xf32, #tpu.memory_space<hbm>> -> memref<32xf32, #tpu.memory_space<hbm>>
        %dma_wait3A_34 = arith.constant 0 : i32
        %dma_wait3A_35 = tpu.memref_slice %arg11[%dma_wait3A_27, %dma_wait3A_34] : memref<128x32xf32, #tpu.memory_space<vmem>> -> memref<1x32xf32, #tpu.memory_space<vmem>>
        %dma_wait3A_36 = tpu.memref_squeeze %dma_wait3A_35 : memref<1x32xf32, #tpu.memory_space<vmem>> -> memref<32xf32, #tpu.memory_space<vmem>>
        %dma_wait3A_37 = arith.constant 0 : i32
        %dma_wait3A_38 = tpu.memref_slice %arg4[%dma_wait3A, %dma_wait3A_26, %dma_wait3A_37] : memref<125000x8x32xf32, #tpu.memory_space<hbm>> -> memref<1x1x32xf32, #tpu.memory_space<hbm>>
        %dma_wait3A_39 = tpu.memref_squeeze %dma_wait3A_38 : memref<1x1x32xf32, #tpu.memory_space<hbm>> -> memref<32xf32, #tpu.memory_space<hbm>>
        tpu.wait_dma2 semaphore(%arg13 : memref<!tpu.dma_semaphore, #tpu.memory_space<semaphore_mem>>) src(%dma_wait3A_39 : memref<32xf32, #tpu.memory_space<hbm>>) dst(%dma_wait3A_36 : memref<32xf32, #tpu.memory_space<vmem>>)
        %dma_wait3A_40 = arith.constant 0 : i32
        %dma_wait3A_41 = arith.constant 0 : i32
        %dma_wait3A_42 = arith.constant 0 : i32
        %dma_wait3A_43 = arith.constant 0 : i32
        %dma_wait3A_44 = tpu.memref_slice %arg12[%dma_wait3A_42, %dma_wait3A_43] : memref<128x32xf32, #tpu.memory_space<vmem>> -> memref<1x32xf32, #tpu.memory_space<vmem>>
        %dma_wait3A_45 = tpu.memref_squeeze %dma_wait3A_44 : memref<1x32xf32, #tpu.memory_space<vmem>> -> memref<32xf32, #tpu.memory_space<vmem>>
        %dma_wait3A_46 = arith.constant 0 : i32
        %dma_wait3A_47 = tpu.memref_slice %arg5[%dma_wait3A_40, %dma_wait3A_41, %dma_wait3A_46] : memref<125000x8x32xf32, #tpu.memory_space<hbm>> -> memref<1x1x32xf32, #tpu.memory_space<hbm>>
        %dma_wait3A_48 = tpu.memref_squeeze %dma_wait3A_47 : memref<1x1x32xf32, #tpu.memory_space<hbm>> -> memref<32xf32, #tpu.memory_space<hbm>>
        %dma_wait3A_49 = arith.constant 0 : i32
        %dma_wait3A_50 = tpu.memref_slice %arg12[%dma_wait3A_42, %dma_wait3A_49] : memref<128x32xf32, #tpu.memory_space<vmem>> -> memref<1x32xf32, #tpu.memory_space<vmem>>
        %dma_wait3A_51 = tpu.memref_squeeze %dma_wait3A_50 : memref<1x32xf32, #tpu.memory_space<vmem>> -> memref<32xf32, #tpu.memory_space<vmem>>
        %dma_wait3A_52 = arith.constant 0 : i32
        %dma_wait3A_53 = tpu.memref_slice %arg5[%dma_wait3A_40, %dma_wait3A_41, %dma_wait3A_52] : memref<125000x8x32xf32, #tpu.memory_space<hbm>> -> memref<1x1x32xf32, #tpu.memory_space<hbm>>
        %dma_wait3A_54 = tpu.memref_squeeze %dma_wait3A_53 : memref<1x1x32xf32, #tpu.memory_space<hbm>> -> memref<32xf32, #tpu.memory_space<hbm>>
        tpu.wait_dma2 semaphore(%arg13 : memref<!tpu.dma_semaphore, #tpu.memory_space<semaphore_mem>>) src(%dma_wait3A_54 : memref<32xf32, #tpu.memory_space<hbm>>) dst(%dma_wait3A_51 : memref<32xf32, #tpu.memory_space<vmem>>)
      }
      %scan3A_22 = arith.constant 128 : i32
      %add3A_23 = arith.addi %mul3A_2, %mul3A_10 : i32
      "tpu.region"() ({
        %run_scoped3A = tpu.sem_alloc : memref<!tpu.dma_semaphore, #tpu.memory_space<semaphore_mem>>
        %dma_start3A = arith.constant 0 : i32
        %dma_start3A_25 = tpu.memref_slice %arg6[%add3A_23, %dma_start3A] : memref<16384x32xf32, #tpu.memory_space<hbm>> -> memref<128x32xf32, #tpu.memory_space<hbm>>
        %dma_start3A_26 = arith.constant 0 : i32
        %dma_start3A_27 = tpu.memref_slice %arg6[%add3A_23, %dma_start3A_26] : memref<16384x32xf32, #tpu.memory_space<hbm>> -> memref<128x32xf32, #tpu.memory_space<hbm>>
        tpu.enqueue_dma source(%arg11 : memref<128x32xf32, #tpu.memory_space<vmem>>) target(%dma_start3A_27 : memref<128x32xf32, #tpu.memory_space<hbm>>) target_semaphore(%run_scoped3A : memref<!tpu.dma_semaphore, #tpu.memory_space<semaphore_mem>>)
        %dma_wait3A = arith.constant 0 : i32
        %dma_wait3A_28 = tpu.memref_slice %arg6[%add3A_23, %dma_wait3A] : memref<16384x32xf32, #tpu.memory_space<hbm>> -> memref<128x32xf32, #tpu.memory_space<hbm>>
        %dma_wait3A_29 = arith.constant 0 : i32
        %dma_wait3A_30 = tpu.memref_slice %arg6[%add3A_23, %dma_wait3A_29] : memref<16384x32xf32, #tpu.memory_space<hbm>> -> memref<128x32xf32, #tpu.memory_space<hbm>>
        tpu.wait_dma2 semaphore(%run_scoped3A : memref<!tpu.dma_semaphore, #tpu.memory_space<semaphore_mem>>) src(%arg11 : memref<128x32xf32, #tpu.memory_space<vmem>>) dst(%dma_wait3A_30 : memref<128x32xf32, #tpu.memory_space<hbm>>)
        tpu.yield
      }) : () -> ()
      %add3A_24 = arith.addi %mul3A_2, %mul3A_10 : i32
      "tpu.region"() ({
        %run_scoped3A = tpu.sem_alloc : memref<!tpu.dma_semaphore, #tpu.memory_space<semaphore_mem>>
        %dma_start3A = arith.constant 0 : i32
        %dma_start3A_25 = tpu.memref_slice %arg7[%add3A_24, %dma_start3A] : memref<16384x32xf32, #tpu.memory_space<hbm>> -> memref<128x32xf32, #tpu.memory_space<hbm>>
        %dma_start3A_26 = arith.constant 0 : i32
        %dma_start3A_27 = tpu.memref_slice %arg7[%add3A_24, %dma_start3A_26] : memref<16384x32xf32, #tpu.memory_space<hbm>> -> memref<128x32xf32, #tpu.memory_space<hbm>>
        tpu.enqueue_dma source(%arg12 : memref<128x32xf32, #tpu.memory_space<vmem>>) target(%dma_start3A_27 : memref<128x32xf32, #tpu.memory_space<hbm>>) target_semaphore(%run_scoped3A : memref<!tpu.dma_semaphore, #tpu.memory_space<semaphore_mem>>)
        %dma_wait3A = arith.constant 0 : i32
        %dma_wait3A_28 = tpu.memref_slice %arg7[%add3A_24, %dma_wait3A] : memref<16384x32xf32, #tpu.memory_space<hbm>> -> memref<128x32xf32, #tpu.memory_space<hbm>>
        %dma_wait3A_29 = arith.constant 0 : i32
        %dma_wait3A_30 = tpu.memref_slice %arg7[%add3A_24, %dma_wait3A_29] : memref<16384x32xf32, #tpu.memory_space<hbm>> -> memref<128x32xf32, #tpu.memory_space<hbm>>
        tpu.wait_dma2 semaphore(%run_scoped3A : memref<!tpu.dma_semaphore, #tpu.memory_space<semaphore_mem>>) src(%arg12 : memref<128x32xf32, #tpu.memory_space<vmem>>) dst(%dma_wait3A_30 : memref<128x32xf32, #tpu.memory_space<hbm>>)
        tpu.yield
      }) : () -> ()
    }
    %scan3A_7 = arith.constant 4 : i32
    return
  }
}

module attributes {stable_mosaic.version = 14 : i64} {
  func.func @_mlp_body(%arg0: i32, %arg1: memref<2048x32xf32, #tpu.memory_space<vmem>>, %arg2: memref<2048x32xf32, #tpu.memory_space<vmem>>, %arg3: memref<32x64xf32, #tpu.memory_space<vmem>>, %arg4: memref<32x64xf32, #tpu.memory_space<vmem>>, %arg5: memref<1x64xf32, #tpu.memory_space<vmem>>, %arg6: memref<64x32xf32, #tpu.memory_space<vmem>>, %arg7: memref<1x32xf32, #tpu.memory_space<vmem>>, %arg8: memref<32x16xf32, #tpu.memory_space<vmem>>, %arg9: memref<1x16xf32, #tpu.memory_space<vmem>>, %arg10: memref<16x8xf32, #tpu.memory_space<vmem>>, %arg11: memref<1x8xf32, #tpu.memory_space<vmem>>, %arg12: memref<8x1xf32, #tpu.memory_space<vmem>>, %arg13: memref<1x1xf32, #tpu.memory_space<vmem>>, %arg14: memref<2048x1xf32, #tpu.memory_space<vmem>>) attributes {dimension_semantics = [#tpu.dimension_semantics<arbitrary>], iteration_bounds = array<i64: 8>, scalar_prefetch = 0 : i64, scratch_operands = 0 : i64, tpu.core_type = #tpu.core_type<tc>, window_params = [{transform_indices = @transform_0, window_bounds = array<i64: 2048, 32>}, {transform_indices = @transform_1, window_bounds = array<i64: 2048, 32>}, {pipeline_mode = #tpu.pipeline_mode<synchronous>, transform_indices = @transform_2, window_bounds = array<i64: 32, 64>}, {pipeline_mode = #tpu.pipeline_mode<synchronous>, transform_indices = @transform_3, window_bounds = array<i64: 32, 64>}, {pipeline_mode = #tpu.pipeline_mode<synchronous>, transform_indices = @transform_4, window_bounds = array<i64: 1, 64>}, {pipeline_mode = #tpu.pipeline_mode<synchronous>, transform_indices = @transform_5, window_bounds = array<i64: 64, 32>}, {pipeline_mode = #tpu.pipeline_mode<synchronous>, transform_indices = @transform_6, window_bounds = array<i64: 1, 32>}, {pipeline_mode = #tpu.pipeline_mode<synchronous>, transform_indices = @transform_7, window_bounds = array<i64: 32, 16>}, {pipeline_mode = #tpu.pipeline_mode<synchronous>, transform_indices = @transform_8, window_bounds = array<i64: 1, 16>}, {pipeline_mode = #tpu.pipeline_mode<synchronous>, transform_indices = @transform_9, window_bounds = array<i64: 16, 8>}, {pipeline_mode = #tpu.pipeline_mode<synchronous>, transform_indices = @transform_10, window_bounds = array<i64: 1, 8>}, {pipeline_mode = #tpu.pipeline_mode<synchronous>, transform_indices = @transform_11, window_bounds = array<i64: 8, 1>}, {pipeline_mode = #tpu.pipeline_mode<synchronous>, transform_indices = @transform_12, window_bounds = array<i64: 1, 1>}, {transform_indices = @transform_13, window_bounds = array<i64: 2048, 1>}]} {
    %get3A = arith.constant 0 : index
    %get3A_0 = arith.constant 0 : index
    %get3A_1 = vector.load %arg1[%get3A, %get3A_0] : memref<2048x32xf32, #tpu.memory_space<vmem>>, vector<2048x32xf32>
    %get3A_2 = arith.constant 0 : index
    %get3A_3 = arith.constant 0 : index
    %get3A_4 = vector.load %arg3[%get3A_2, %get3A_3] : memref<32x64xf32, #tpu.memory_space<vmem>>, vector<32x64xf32>
    %dot_general3A = arith.constant dense<0.000000e+00> : vector<2048x64xf32>
    %dot_general3A_5 = tpu.matmul %get3A_1, %get3A_4, %dot_general3A {dimension_numbers = #tpu.dot_dimension_numbers<[1], [0], [0], [1], [0, 0, 1, 1], [], []>, transpose_lhs_hint = false} : vector<2048x32xf32>, vector<32x64xf32>, vector<2048x64xf32> -> vector<2048x64xf32>
    %get3A_6 = arith.constant 0 : index
    %get3A_7 = arith.constant 0 : index
    %get3A_8 = vector.load %arg2[%get3A_6, %get3A_7] : memref<2048x32xf32, #tpu.memory_space<vmem>>, vector<2048x32xf32>
    %get3A_9 = arith.constant 0 : index
    %get3A_10 = arith.constant 0 : index
    %get3A_11 = vector.load %arg4[%get3A_9, %get3A_10] : memref<32x64xf32, #tpu.memory_space<vmem>>, vector<32x64xf32>
    %dot_general3A_12 = arith.constant dense<0.000000e+00> : vector<2048x64xf32>
    %dot_general3A_13 = tpu.matmul %get3A_8, %get3A_11, %dot_general3A_12 {dimension_numbers = #tpu.dot_dimension_numbers<[1], [0], [0], [1], [0, 0, 1, 1], [], []>, transpose_lhs_hint = false} : vector<2048x32xf32>, vector<32x64xf32>, vector<2048x64xf32> -> vector<2048x64xf32>
    %add3A = arith.addf %dot_general3A_5, %dot_general3A_13 : vector<2048x64xf32>
    %get3A_14 = arith.constant 0 : index
    %get3A_15 = arith.constant 0 : index
    %get3A_16 = vector.load %arg5[%get3A_14, %get3A_15] : memref<1x64xf32, #tpu.memory_space<vmem>>, vector<1x64xf32>
    %add3A_17 = vector.broadcast %get3A_16 : vector<1x64xf32> to vector<2048x64xf32>
    %add3A_18 = arith.addf %add3A, %add3A_17 : vector<2048x64xf32>
    %max3A = arith.constant 0.000000e+00 : f32
    %max3A_19 = vector.broadcast %max3A : f32 to vector<2048x64xf32>
    %max3A_20 = arith.maximumf %add3A_18, %max3A_19 : vector<2048x64xf32>
    %get3A_21 = arith.constant 0 : index
    %get3A_22 = arith.constant 0 : index
    %get3A_23 = vector.load %arg6[%get3A_21, %get3A_22] : memref<64x32xf32, #tpu.memory_space<vmem>>, vector<64x32xf32>
    %dot_general3A_24 = arith.constant dense<0.000000e+00> : vector<2048x32xf32>
    %dot_general3A_25 = tpu.matmul %max3A_20, %get3A_23, %dot_general3A_24 {dimension_numbers = #tpu.dot_dimension_numbers<[1], [0], [0], [1], [0, 0, 1, 1], [], []>, transpose_lhs_hint = false} : vector<2048x64xf32>, vector<64x32xf32>, vector<2048x32xf32> -> vector<2048x32xf32>
    %get3A_26 = arith.constant 0 : index
    %get3A_27 = arith.constant 0 : index
    %get3A_28 = vector.load %arg7[%get3A_26, %get3A_27] : memref<1x32xf32, #tpu.memory_space<vmem>>, vector<1x32xf32>
    %add3A_29 = vector.broadcast %get3A_28 : vector<1x32xf32> to vector<2048x32xf32>
    %add3A_30 = arith.addf %dot_general3A_25, %add3A_29 : vector<2048x32xf32>
    %max3A_31 = arith.constant 0.000000e+00 : f32
    %max3A_32 = vector.broadcast %max3A_31 : f32 to vector<2048x32xf32>
    %max3A_33 = arith.maximumf %add3A_30, %max3A_32 : vector<2048x32xf32>
    %get3A_34 = arith.constant 0 : index
    %get3A_35 = arith.constant 0 : index
    %get3A_36 = vector.load %arg8[%get3A_34, %get3A_35] : memref<32x16xf32, #tpu.memory_space<vmem>>, vector<32x16xf32>
    %dot_general3A_37 = arith.constant dense<0.000000e+00> : vector<2048x16xf32>
    %dot_general3A_38 = tpu.matmul %max3A_33, %get3A_36, %dot_general3A_37 {dimension_numbers = #tpu.dot_dimension_numbers<[1], [0], [0], [1], [0, 0, 1, 1], [], []>, transpose_lhs_hint = false} : vector<2048x32xf32>, vector<32x16xf32>, vector<2048x16xf32> -> vector<2048x16xf32>
    %get3A_39 = arith.constant 0 : index
    %get3A_40 = arith.constant 0 : index
    %get3A_41 = vector.load %arg9[%get3A_39, %get3A_40] : memref<1x16xf32, #tpu.memory_space<vmem>>, vector<1x16xf32>
    %add3A_42 = vector.broadcast %get3A_41 : vector<1x16xf32> to vector<2048x16xf32>
    %add3A_43 = arith.addf %dot_general3A_38, %add3A_42 : vector<2048x16xf32>
    %max3A_44 = arith.constant 0.000000e+00 : f32
    %max3A_45 = vector.broadcast %max3A_44 : f32 to vector<2048x16xf32>
    %max3A_46 = arith.maximumf %add3A_43, %max3A_45 : vector<2048x16xf32>
    %get3A_47 = arith.constant 0 : index
    %get3A_48 = arith.constant 0 : index
    %get3A_49 = vector.load %arg10[%get3A_47, %get3A_48] : memref<16x8xf32, #tpu.memory_space<vmem>>, vector<16x8xf32>
    %dot_general3A_50 = arith.constant dense<0.000000e+00> : vector<2048x8xf32>
    %dot_general3A_51 = tpu.matmul %max3A_46, %get3A_49, %dot_general3A_50 {dimension_numbers = #tpu.dot_dimension_numbers<[1], [0], [0], [1], [0, 0, 1, 1], [], []>, transpose_lhs_hint = false} : vector<2048x16xf32>, vector<16x8xf32>, vector<2048x8xf32> -> vector<2048x8xf32>
    %get3A_52 = arith.constant 0 : index
    %get3A_53 = arith.constant 0 : index
    %get3A_54 = vector.load %arg11[%get3A_52, %get3A_53] : memref<1x8xf32, #tpu.memory_space<vmem>>, vector<1x8xf32>
    %add3A_55 = vector.broadcast %get3A_54 : vector<1x8xf32> to vector<2048x8xf32>
    %add3A_56 = arith.addf %dot_general3A_51, %add3A_55 : vector<2048x8xf32>
    %max3A_57 = arith.constant 0.000000e+00 : f32
    %max3A_58 = vector.broadcast %max3A_57 : f32 to vector<2048x8xf32>
    %max3A_59 = arith.maximumf %add3A_56, %max3A_58 : vector<2048x8xf32>
    %get3A_60 = arith.constant 0 : index
    %get3A_61 = arith.constant 0 : index
    %get3A_62 = vector.load %arg12[%get3A_60, %get3A_61] : memref<8x1xf32, #tpu.memory_space<vmem>>, vector<8x1xf32>
    %dot_general3A_63 = arith.constant dense<0.000000e+00> : vector<2048x1xf32>
    %dot_general3A_64 = tpu.matmul %max3A_59, %get3A_62, %dot_general3A_63 {dimension_numbers = #tpu.dot_dimension_numbers<[1], [0], [0], [1], [0, 0, 1, 1], [], []>, transpose_lhs_hint = false} : vector<2048x8xf32>, vector<8x1xf32>, vector<2048x1xf32> -> vector<2048x1xf32>
    %get3A_65 = arith.constant 0 : index
    %get3A_66 = arith.constant 0 : index
    %get3A_67 = vector.load %arg13[%get3A_65, %get3A_66] : memref<1x1xf32, #tpu.memory_space<vmem>>, vector<1x1xf32>
    %add3A_68 = vector.broadcast %get3A_67 : vector<1x1xf32> to vector<2048x1xf32>
    %add3A_69 = arith.addf %dot_general3A_64, %add3A_68 : vector<2048x1xf32>
    %swap3A = arith.constant 0 : index
    %swap3A_70 = arith.constant 0 : index
    %swap3A_71 = vector.load %arg14[%swap3A, %swap3A_70] : memref<2048x1xf32, #tpu.memory_space<vmem>>, vector<2048x1xf32>
    tpu.vector_store %arg14[%swap3A, %swap3A_70], %add3A_69 {strides = array<i32>} : memref<2048x1xf32, #tpu.memory_space<vmem>>, vector<2048x1xf32>,
    return
  }
  func.func @transform_0(%arg0: i32) -> (i32, i32) {
    %c0_i32 = arith.constant 0 : i32
    %c0_i32_0 = arith.constant 0 : i32
    return %arg0, %c0_i32 : i32, i32
  }
  func.func @transform_1(%arg0: i32) -> (i32, i32) {
    %c0_i32 = arith.constant 0 : i32
    %c0_i32_0 = arith.constant 0 : i32
    return %arg0, %c0_i32 : i32, i32
  }
  func.func @transform_2(%arg0: i32) -> (i32, i32) {
    %c0_i32 = arith.constant 0 : i32
    %c0_i32_0 = arith.constant 0 : i32
    %c0_i32_1 = arith.constant 0 : i32
    return %c0_i32, %c0_i32_0 : i32, i32
  }
  func.func @transform_3(%arg0: i32) -> (i32, i32) {
    %c0_i32 = arith.constant 0 : i32
    %c0_i32_0 = arith.constant 0 : i32
    %c0_i32_1 = arith.constant 0 : i32
    return %c0_i32, %c0_i32_0 : i32, i32
  }
  func.func @transform_4(%arg0: i32) -> (i32, i32) {
    %c0_i32 = arith.constant 0 : i32
    %c0_i32_0 = arith.constant 0 : i32
    %c0_i32_1 = arith.constant 0 : i32
    return %c0_i32, %c0_i32_0 : i32, i32
  }
  func.func @transform_5(%arg0: i32) -> (i32, i32) {
    %c0_i32 = arith.constant 0 : i32
    %c0_i32_0 = arith.constant 0 : i32
    %c0_i32_1 = arith.constant 0 : i32
    return %c0_i32, %c0_i32_0 : i32, i32
  }
  func.func @transform_6(%arg0: i32) -> (i32, i32) {
    %c0_i32 = arith.constant 0 : i32
    %c0_i32_0 = arith.constant 0 : i32
    %c0_i32_1 = arith.constant 0 : i32
    return %c0_i32, %c0_i32_0 : i32, i32
  }
  func.func @transform_7(%arg0: i32) -> (i32, i32) {
    %c0_i32 = arith.constant 0 : i32
    %c0_i32_0 = arith.constant 0 : i32
    %c0_i32_1 = arith.constant 0 : i32
    return %c0_i32, %c0_i32_0 : i32, i32
  }
  func.func @transform_8(%arg0: i32) -> (i32, i32) {
    %c0_i32 = arith.constant 0 : i32
    %c0_i32_0 = arith.constant 0 : i32
    %c0_i32_1 = arith.constant 0 : i32
    return %c0_i32, %c0_i32_0 : i32, i32
  }
  func.func @transform_9(%arg0: i32) -> (i32, i32) {
    %c0_i32 = arith.constant 0 : i32
    %c0_i32_0 = arith.constant 0 : i32
    %c0_i32_1 = arith.constant 0 : i32
    return %c0_i32, %c0_i32_0 : i32, i32
  }
  func.func @transform_10(%arg0: i32) -> (i32, i32) {
    %c0_i32 = arith.constant 0 : i32
    %c0_i32_0 = arith.constant 0 : i32
    %c0_i32_1 = arith.constant 0 : i32
    return %c0_i32, %c0_i32_0 : i32, i32
  }
  func.func @transform_11(%arg0: i32) -> (i32, i32) {
    %c0_i32 = arith.constant 0 : i32
    %c0_i32_0 = arith.constant 0 : i32
    %c0_i32_1 = arith.constant 0 : i32
    return %c0_i32, %c0_i32_0 : i32, i32
  }
  func.func @transform_12(%arg0: i32) -> (i32, i32) {
    %c0_i32 = arith.constant 0 : i32
    %c0_i32_0 = arith.constant 0 : i32
    %c0_i32_1 = arith.constant 0 : i32
    return %c0_i32, %c0_i32_0 : i32, i32
  }
  func.func @transform_13(%arg0: i32) -> (i32, i32) {
    %c0_i32 = arith.constant 0 : i32
    %c0_i32_0 = arith.constant 0 : i32
    return %arg0, %c0_i32 : i32, i32
  }
}

</mosaic_0001>

<sc_bundles>
// kernel: kernel.4.cloned.1.call-start
scs
__scs_entry_jumppad:
0x0: {  	(pc) =	sbr.rel $0x88, $3  }
0x1: {  	(tag) =	ssettag $0x0;
	lr =	simm.s32 $0x1  }
0x2: {  	[smem:$0x3F93] =	sst lr;
	_ =	strace $0xD0000000  }
0x3: {  	_ = 	snop  }
0x4: {  	_ = 	snop  }
0x5: {  	_ = 	snop  }
0x6: {  	_ = 	snop  }
0x7: {  	_ = 	snop  }
__scs_overlays_trampoline_lowered:
0x8: {  	[smem:$0x3FA2] =	sst s0  }
0x9: {  	[smem:$0x3FA3] =	sst s1  }
0xa: {  	[smem:$0x3FA4] =	sst s2  }
0xb: {  	[smem:$0x3FA5] =	sst s3  }
0xc: {  	[smem:$0x3FA6] =	sst s4  }
0xd: {  	[smem:$0x3FA7] =	sst s5  }
0xe: {  	[smem:$0x3FA8] =	sst s6  }
0xf: {  	[smem:$0x3FA9] =	sst s7  }
0x10: {  	[smem:$0x3FAA] =	sst s8  }
0x11: {  	[smem:$0x3FAB] =	sst s9;
	s0 =	simm.s32 @!p0 $0x0  }
0x12: {  	s1 =	sld [smem:$0x3F91];
	s0 =	simm.s32 @p0 $0x1  }
0x13: {  	[smem:$0x3FAC] =	sst s0;
	s0 =	simm.s32 @!p1 $0x0  }
0x14: {  	s2 =	sld [smem:$0x3F90];
	s0 =	simm.s32 @p1 $0x1  }
0x15: {  	[smem:$0x3FAD] =	sst s0;
	s0 =	simm.s32 @!p2 $0x0  }
0x16: {  	s3 =	sld [smem:$0x3FDB];
	s0 =	simm.s32 @p2 $0x1  }
0x17: {  	s4 =	simm.s32 $0x1BF5;
	[smem:$0x3FAF] =	sst s0  }
0x18: {  	s0 =	sld [smem:$0x3F92];
	_ =	swait.ge [sflag:s4], $0x0  }
0x19: {  	s7 =	sld [smem:$0x3F93]  }
0x1a: {  	s8 =	sadd.s32 $0xFFFFE003, lr  }
0x1b: {  	s9 =	sadd.s32 $0xFFFFFEF7, lr;
	s5 =	simm.s32 $0xFFFFFFFF;
	p2 =	slt.u32 s8, $0xFFFFF086  }
0x1c: {  	p1 =	slt.u32 s9, $0xF7A;
	s5 =	simm.s32 @!p2 $0x0  }
0x1d: {  	s5 =	simm.s32 @p1 $0x1;
	p0 =	seq.s32 s7, s2  }
0x1e: {  	s7 =	smul.u32 @!p0 $0xF7A, s2;
	p2 =	seq.s32 @!p0 s5, $0x0  }
0x1f: {  	s9 =	smul.u32 $0xF7A, s1;
	s8 =	simm.s32 @!p0 $0x1BF5;
	p2 =	por !p2, p0  }
0x20: {  	[sflag:s8] =	ssyncset.s32 @!p0 $0xFFFFF086;
	s6 =	sadd.s32 @!p0 s3, s7;
	s7 =	simm.s32 @!p0 $0x108  }
0x21: {  	s3 =	sadd.s32 s3, s9;
	s6 =	sadd.s32 @!p0 $0x88, s6;
	s7 =	simm.s32 @p2 $0x1082  }
0x22: {  	[simem:s7], [sflag:s8] =	dma.local @!p0 [hbm:s6], $0xF7A  }
0x23: {  	s9 =	sor.u32 $0xD0000000, s2;
	s6 =	simm.s32 $0x108;
	_ =	swait.ge @!p0 [sflag:s8], $0x0  }
0x24: {  	s3 =	sadd.s32 $0x88, s3;
	s6 =	simm.s32 @!p1 $0x1082;
	[sflag:s4] =	ssyncset.s32 $0xFFFFF086  }
0x25: {  	[simem:s6], [sflag:s4] =	dma.local [hbm:s3], $0xF7A  }
0x26: {  	[smem:$0x3F93] =	sst s1;
	(tag) =	ssettag s2;
	_ =	strace s9  }
0x27: {  	s1 =	sld [smem:$0x3FA3]  }
0x28: {  	s2 =	sld [smem:$0x3FA4]  }
0x29: {  	s4 =	sld [smem:$0x3FA6]  }
0x2a: {  	p0 =	seq.s32 s5, $0x0;
	s5 =	sld [smem:$0x3FA7]  }
0x2b: {  	s6 =	sld [smem:$0x3FA8]  }
0x2c: {  	s7 =	sld [smem:$0x3FA9]  }
0x2d: {  	s3 =	simm.s32 $0x108;
	s8 =	sld [smem:$0x3FAA]  }
0x2e: {  	s3 =	simm.s32 @!p0 $0x1082;
	s9 =	sld [smem:$0x3FAB]  }
0x2f: {  	lr =	sadd.s32 s0, s3;
	s0 =	sld [smem:$0x3FA2]  }
0x30: {  	s3 =	sld [smem:$0x3FA5]  }
0x31: {  	[smem:$0x3FAE] =	sst s10  }
0x32: {  	s10 =	sld [smem:$0x3FAC];
	_ =	sdelay $0x3  }
0x33: {  	p0 =	seq.s32 s10, $0x1;
	s10 =	sld [smem:$0x3FAE];
	_ =	sdelay $0x3  }
0x34: {  	[smem:$0x3FAE] =	sst s10  }
0x35: {  	s10 =	sld [smem:$0x3FAD];
	_ =	sdelay $0x3  }
0x36: {  	p1 =	seq.s32 s10, $0x1;
	s10 =	sld [smem:$0x3FAE];
	_ =	sdelay $0x3  }
0x37: {  	[smem:$0x3FAE] =	sst s10  }
0x38: {  	s10 =	sld [smem:$0x3FAF]  }
0x39: {  	_ = 	snop;
	(pc) =	sbr.ind lr, $3  }
0x3a: {  	_ = 	snop  }
0x3b: {  	_ = 	snop  }
0x3c: {  	p2 =	seq.s32 s10, $0x1;
	s10 =	sld [smem:$0x3FAE]  }
0x3d: {  	_ =	shalt  }
0x3e: {  	_ =	shalt  }
0x3f: {  	_ =	shalt  }
0x40: {  	_ =	shalt  }
0x41: {  	_ =	shalt  }
0x42: {  	_ =	shalt  }
0x43: {  	_ =	shalt  }
0x44: {  	_ =	shalt  }
0x45: {  	_ =	shalt  }
0x46: {  	_ =	shalt  }
0x47: {  	_ =	shalt  }
0x48: {  	_ =	shalt  }
0x49: {  	_ =	shalt  }
0x4a: {  	_ =	shalt  }
0x4b: {  	_ =	shalt  }
0x4c: {  	_ =	shalt  }
0x4d: {  	_ =	shalt  }
0x4e: {  	_ =	shalt  }
0x4f: {  	_ =	shalt  }
0x50: {  	_ =	shalt  }
0x51: {  	_ =	shalt  }
0x52: {  	_ =	shalt  }
0x53: {  	_ =	shalt  }
0x54: {  	_ =	shalt  }
0x55: {  	_ =	shalt  }
0x56: {  	_ =	shalt  }
0x57: {  	_ =	shalt  }
0x58: {  	_ =	shalt  }
0x59: {  	_ =	shalt  }
0x5a: {  	_ =	shalt  }
0x5b: {  	_ =	shalt  }
0x5c: {  	_ =	shalt  }
0x5d: {  	_ =	shalt  }
0x5e: {  	_ =	shalt  }
0x5f: {  	_ =	shalt  }
0x60: {  	_ =	shalt  }
0x61: {  	_ =	shalt  }
0x62: {  	_ =	shalt  }
0x63: {  	_ =	shalt  }
0x64: {  	_ =	shalt  }
0x65: {  	_ =	shalt  }
0x66: {  	_ =	shalt  }
0x67: {  	_ =	shalt  }
0x68: {  	_ =	shalt  }
0x69: {  	_ =	shalt  }
0x6a: {  	_ =	shalt  }
0x6b: {  	_ =	shalt  }
0x6c: {  	_ =	shalt  }
0x6d: {  	_ =	shalt  }
0x6e: {  	_ =	shalt  }
0x6f: {  	_ =	shalt  }
0x70: {  	_ =	shalt  }
0x71: {  	_ =	shalt  }
0x72: {  	_ =	shalt  }
0x73: {  	_ =	shalt  }
0x74: {  	_ =	shalt  }
0x75: {  	_ =	shalt  }
0x76: {  	_ =	shalt  }
0x77: {  	_ =	shalt  }
0x78: {  	_ =	shalt  }
0x79: {  	_ =	shalt  }
0x7a: {  	_ =	shalt  }
0x7b: {  	_ =	shalt  }
0x7c: {  	_ =	shalt  }
0x7d: {  	_ =	shalt  }
0x7e: {  	_ =	shalt  }
0x7f: {  	_ =	shalt  }
0x80: {  	_ =	shalt  }
0x81: {  	_ =	shalt  }
0x82: {  	_ =	shalt  }
0x83: {  	_ =	shalt  }
0x84: {  	_ =	shalt  }
0x85: {  	_ =	shalt  }
0x86: {  	_ =	shalt  }
0x87: {  	_ =	shalt  }
.Lfunc_end0:
.L_simem_size_0:
called_computation_lowered:
.L_overlay_start_0:
0x88: {  	s2 =	sld [smem:$0x3FD9]  }
0x89: {  	s3 =	sld [smem:$0x3FFE];
	_ =	sdelay $0x1  }
0x8a: {  	s1 =	srdreg.scid  }
0x8b: {  	s0 =	sand.u32 $0x1, s1  }
0x8c: {  	s17 =	sshll.u32 s0, $0xA;
	s2 =	sadd.s32 s3, s2  }
0x8d: {  	s2 =	sadd.s32 s2, s17  }
0x8e: {  	[smem:$0x3FBA] =	sst s2  }
0x8f: {  	_ = 	snop  }
0x90: {  	s2 =	sld [smem:$0x3FD0];
	(tm) =	ssettm $0x1  }
0x91: {  	s18 =	sld [smem:$0x3FFB];
	_ =	sdelay $0x3  }
0x92: {  	_ =	strace s18  }
0x93: {  	s3 =	sld [smem:$0x3FFC];
	_ =	sdelay $0x3  }
0x94: {  	_ =	strace s3  }
0x95: {  	s3 =	sld [smem:$0x3FFD];
	_ =	sdelay $0x3  }
0x96: {  	_ =	strace s3  }
0x97: {  	_ =	strace $0x8FFFFFFF  }
0x98: {  	s19 =	sld [smem:$0x3FDB];
	_ =	sdelay $0x1  }
0x99: {  	s4 =	simm.s32 $_scs_section_size  }
0x9a: {  	s5 =	simm.s32 $_size__tile_overlayer_lowered;
	s6 =	simm.s32 $_tile_overlayer_lowered  }
0x9b: {  	s22 =	simm.s32 $0x1BFF;
	s21 =	sshll.u32 s6, $0x1;
	s3 =	sadd.s32 s4, s19  }
0x9c: {  	s7 =	simm.s32 $0x0;
	s20 =	sshll.u32 s5, $0x1;
	s5 =	sadd.s32 s21, s3  }
0x9d: {  	[timem:s7], [sflag:s22] =	dma.local [hbm:s5], s20  }
0x9e: {  	_ =	swait.ge [sflag:s22], s20  }
0x9f: {  	s4 =	ssub.s32 $0x0, s20;
	[sflag:s22] =	ssyncset.done $0x0  }
0xa0: {  	[sflag:s22] =	ssyncadd.s32 s4;
	_ =	sdelay $0x1  }
0xa1: {  	s23 =	simm.s32 $0x1B8B  }
0xa2: {  	_ =	swait.ge [sflag:s23], $0x1  }
0xa3: {  	[sflag:s23] =	ssyncset.done $0x0  }
0xa4: {  	s25 =	simm.s32 $0x1B8E;
	s24 =	sld [smem:$0x3FFE];
	[sflag:s23] =	ssyncadd.s32 $0xFFFFFFFF  }
0xa5: {  	s26 =	simm.s32 $execute0_lowered;
	[smem:$0x3FD2] =	sst s25  }
0xa6: {  	s5 =	sshll.u32 s26, $0x1;
	_ =	strace $0x80000046;
	[dreg:$0x1] =	wrdreg $0xFFFFFFFF  }
0xa7: {  	s28 =	simm.s32 $_size_execute0_lowered;
	s3 =	sadd.s32 s3, s5;
	[dreg:$0x0] =	wrdreg $0x0  }
0xa8: {  	s5 =	sshll.u32 s28, $0x1;
	[dreg:$0x2] =	wrdreg s3  }
0xa9: {  	[dreg:$0x3] =	wrdreg s5  }
0xaa: {  	[dreg:$0x4] =	wrdreg $0xC0  }
0xab: {  	_ =	task [dreg:s7], $0x5FFFF  }
0xac: {  	[dreg:$0x1] =	wrdreg $0xFFFFFFFF  }
0xad: {  	[dreg:$0x0] =	wrdreg $0x60  }
0xae: {  	[dreg:$0x2] =	wrdreg s2  }
0xaf: {  	[dreg:$0x3] =	wrdreg s24  }
0xb0: {  	[dreg:$0x4] =	wrdreg $0x0  }
0xb1: {  	[dreg:$0x5] =	wrdreg $0x9  }
0xb2: {  	_ =	task.clear_ibuf [dreg:s7], $0x6FFFF;
	_ =	strace $0x90000046  }
0xb3: {  	s29 =	simm.s32 $0x9;
	_ =	strace $0x80000048  }
0xb4: {  	_ =	swait.ge [sflag:s29], $0x1  }
0xb5: {  	[sflag:s29] =	ssyncadd.s32 $0xFFFFFFFF  }
0xb6: {  	_ =	strace $0x90000048  }
0xb7: {  	_ =	sfence  }
0xb8: {  	s30 =	sld [smem:$0x0];
	_ =	sdelay $0x2  }
0xb9: {  	s31 =	sshll.u32 s1, $0xD;
	s1 =	sshrl.u32 s1, $0x2  }
0xba: {  	s3 =	sand.u32 $0x4000, s31;
	s1 =	sadd.s32 s1, s30  }
0xbb: {  	s0 =	sor.u32 s3, s0;
	s1 =	sshll.u32 s1, $0x11  }
0xbc: {  	s0 =	sor.u32 s1, s0  }
0xbd: {  	s0 =	sadd.s32 $0x8F2B, s0  }
0xbe: {  	[sflag:s0] =	ssyncadd.remote.s32 $0x1  }
0xbf: {  	_ =	sfence.sel $0xFFFF  }
0xc0: {  	[dreg:$0x0] =	wrdreg $0xFFFFFFFF;
	(pc) =	sbr.abs _section_cstart, $3  }
0xc1: {  	[dreg:$0x1] =	wrdreg $0xFFFFFFFF  }
0xc2: {  	_ =	task.clear_ibuf [dreg:s7], $0x2FFFF;
	_ =	strace $0x9FFFFFFF  }
0xc3: {  	(tm) =	ssettm $0x7FFFFFFF  }
tec
execute0_lowered:
.L_overlay_start_1:
0x0: {  	(tag) =	ssettag $0x1  }
0x1: {  	s0 =	rddreg [dreg:$0x0]  }
0x2: {  	s1 =	rddreg [dreg:$0x1];
	s2 =	srdreg.scid  }
0x3: {  	s14 =	stileid.u32;
	s7 =	rddreg [dreg:$0x2];
	s21 =	simm.s32 $0x1  }
0x4: {  	s22 =	simm.s32 $0x80;
	s31 =	simm.s32 $0x400;
	s6 =	sand.u32 $0x1, s2  }
0x5: {  	s23 =	sshll.u32 s14, $0x1;
	s2 =	simm.s32 $0x0;
	s4 =	sadd.s32 $0xF44200, s1  }
0x6: {  	s9 =	sshll.u32 s14, $0x7;
	s5 =	sadd.s32 $0x1E86E00, s1;
	s13 =	sshll.u32 s14, $0xA  }
0x7: {  	s25 =	sshll.u32 s14, $0x6;
	s8 =	sor.u32 s6, s23;
	[smem:$0x7FF] =	sst s2  }
0x8: {  	s12 =	ssub.s32 $0x2, s6;
	s6 =	sadd.s32 $0x1EC6E00, s1;
	s13 =	sand.u32 $0x2000, s13  }
0x9: {  	s23 =	simm.s32 $0x2;
	s3 =	sshll.u32 s8, $0x4;
	_ =	strace $0x80000047  }
0xa: {  	s24 =	sshrl.u32 s12, $0x1;
	s7 =	sadd.s32 s13, s7;
	s3 =	sor.u32 s9, s3  }
0xb: {  	s9 =	sand.u32 $0x380, s9;
	s10 =	sand.u32 $0x670, s3;
	s3 =	sadd.s32 $0x1E00, s1  }
0xc: {  	s7 =	sadd.s32 s9, s7;
	s9 =	sor.u32 $0x1C02, s25;
	s11 =	sadd.s32 s10, s1  }
0xd: {  	s1 =	ssub.s32 s12, s24;
	s0 =	sadd.s32 s0, s10;
	s10 =	sadd.s32 $0x1000, s7  }
0xe: {  	s12 =	sshll.u32 s8, $0xD;
	s29 =	sadd.s32 $0x400, s7;
	s30 =	sadd.s32 $0x800, s7  }
0xf: {  	s16 =	sadd.s32 $0xC00, s7;
	s17 =	sadd.s32 $0x1400, s7;
	[dreg:$0x4] =	wrdreg s0  }
0x10: {  	s18 =	sadd.s32 $0x1800, s7;
	s19 =	sadd.s32 $0x1C00, s7;
	[dreg:$0x7] =	wrdreg s29  }
0x11: {  	s20 =	sshrl.u32 s7, $0x3;
	s26 =	sadd.s32 $0x1E86600, s11;
	[dreg:$0x8] =	wrdreg s30  }
0x12: {  	s28 =	smax.u32 s1, $0x1;
	s24 =	sshrl.u32 s10, $0x3;
	[dreg:$0x5] =	wrdreg s26  }
0x13: {  	s1 =	simm.s32 $0x4400;
	s0 =	simm.s32 $0x0;
	[dreg:$0x6] =	wrdreg s28  }
.LBB2_1:
0x14: {  	s8 =	rddreg [dreg:$0x4]  }
0x15: {  	[spmem:s20@s22], [sflag:s9] =	dma.strided [hbm:s8@s22], $0x40, s21, $0x10   }
0x16: {  	_ =	swait.ge [sflag:s23], $0x40  }
0x17: {  	[sflag:s23] =	ssyncset.done $0x0  }
0x18: {  	s14 =	rddreg [dreg:$0x5];
	[sflag:s23] =	ssyncadd.s32 $0xFFFFFFC0  }
0x19: {  	[spmem:s24@s22], [sflag:s9] =	dma.strided [hbm:s14@s22], $0x40, s21, $0x10   }
0x1a: {  	_ =	swait.ge [sflag:s23], $0x40  }
0x1b: {  	[sflag:s23] =	ssyncset.done $0x0  }
0x1c: {  	[sflag:s23] =	ssyncadd.s32 $0xFFFFFFC0  }
0x1d: {  	[smem:s2], [sflag:$0x2] =	stream.linear.gather [spmem:s7], $0x80, $0x38;
	[tilespmem:$0x8400] =	vst v63  }
0x1e: {  	s15 =	rddreg [dreg:$0x7]  }
0x1f: {  	[smem:s22], [sflag:$0x2] =	stream.linear.gather [spmem:s15], $0x80, $0x38;
	[tilespmem:$0x8400] =	vst v63  }
0x20: {  	s11 =	simm.s32 $0x100;
	s8 =	rddreg [dreg:$0x8]  }
0x21: {  	[smem:s11], [sflag:$0x2] =	stream.linear.gather [spmem:s8], $0x80, $0x38;
	[tilespmem:$0x8400] =	vst v63  }
0x22: {  	s25 =	simm.s32 $0x180  }
0x23: {  	[smem:s25], [sflag:$0x2] =	stream.linear.gather [spmem:s16], $0x80, $0x38;
	[tilespmem:$0x8400] =	vst v63  }
0x24: {  	_ =	swait.ge [sflag:s23], $0x200  }
0x25: {  	[sflag:s23] =	ssyncset.done $0x0  }
0x26: {  	s25 =	simm.s32 $0x200;
	[sflag:s23] =	ssyncadd.s32 $0xFFFFFE00  }
0x27: {  	[smem:s25], [sflag:$0x2] =	stream.linear.gather [spmem:s10], $0x80, $0x38;
	[tilespmem:$0x8400] =	vst v63  }
0x28: {  	s26 =	simm.s32 $0x280  }
0x29: {  	[smem:s26], [sflag:$0x2] =	stream.linear.gather [spmem:s17], $0x80, $0x38;
	[tilespmem:$0x8400] =	vst v63  }
0x2a: {  	s29 =	simm.s32 $0x300  }
0x2b: {  	[smem:s29], [sflag:$0x2] =	stream.linear.gather [spmem:s18], $0x80, $0x38;
	[tilespmem:$0x8400] =	vst v63  }
0x2c: {  	s30 =	simm.s32 $0x380  }
0x2d: {  	[smem:s30], [sflag:$0x2] =	stream.linear.gather [spmem:s19], $0x80, $0x38;
	[tilespmem:$0x8400] =	vst v63  }
0x2e: {  	_ =	swait.ge [sflag:s23], $0x200  }
0x2f: {  	[sflag:s23] =	ssyncset.done $0x0  }
0x30: {  	s28 =	simm.s32 $0x0;
	s26 =	simm.s32 $0x0;
	[sflag:s23] =	ssyncadd.s32 $0xFFFFFE00  }
.LBB2_2:
0x31: {  	s8 =	simm.s32 $0x0  }
0x32: {  	s11 =	sld [smem:s26+s8];
	_ =	sdelay $0x2  }
0x33: {  	s11 =	sshll.u32 s11, $0x4  }
0x34: {  	s8 =	sld [smem:s25+s8];
	s11 =	sand.u32 $0x1FFFFFF0, s11  }
0x35: {  	s30 =	simm.s32 $0x400;
	s11 =	sadd.s32 s3, s11  }
0x36: {  	[tilespmem:s30], [sflag:$0x1] =	stream.linear.gather [hbm4b:s11+s2], $0x80, $0x38;
	[tilespmem:$0x8400] =	vst v63  }
0x37: {  	s29 =	simm.s32 $0x4400;
	s14 =	sshll.u32 s8, $0x4;
	s11 =	simm.s32 $0x1  }
0x38: {  	s8 =	simm.s32 $0x8;
	s14 =	sand.u32 $0x1FFFFFF0, s14;
	s13 =	sld [smem:s26+s11]  }
.LBB2_3:
0x39: {  	p0 =	sne.s32 s8, $0x1FC;
	s15 =	sld [smem:s25+s11];
	s11 =	sadd.s32 s4, s14  }
0x3a: {  	[tilespmem:s29], [sflag:$0x1] =	stream.linear.gather [hbm4b:s11+s2], $0x80, $0x38;
	[tilespmem:$0x8400] =	vst v63  }
.Ltmp0:
0x3b: {  	s11 =	sshll.u32 s13, $0x4;
	(pc) =	sbr.rel @p0 .LBB2_3-.Ltmp0, $4  }
0x3c: {  	s30 =	sadd.s32 $0x80, s30;
	s29 =	sadd.s32 $0x80, s29;
	s13 =	sand.u32 $0x1FFFFFF0, s11  }
0x3d: {  	s11 =	sshra.s32 s8, $0x2;
	s14 =	sshll.u32 s15, $0x4;
	s13 =	sadd.s32 s3, s13  }
0x3e: {  	[tilespmem:s30], [sflag:$0x1] =	stream.linear.gather [hbm4b:s13+s2], $0x80, $0x38;
	[tilespmem:$0x8400] =	vst v63  }
0x3f: {  	s8 =	sadd.s32 $0x4, s8;
	s14 =	sand.u32 $0x1FFFFFF0, s14;
	s13 =	sld [smem:s26+s11]  }
0x40: {  	s8 =	sld [smem:s25+s11];
	s15 =	sadd.s32 s4, s14  }
0x41: {  	[tilespmem:s29], [sflag:$0x1] =	stream.linear.gather [hbm4b:s15+s2], $0x80, $0x38;
	[tilespmem:$0x8400] =	vst v63  }
0x42: {  	s14 =	sshll.u32 s13, $0x4  }
0x43: {  	s11 =	sand.u32 $0x1FFFFFF0, s14;
	s8 =	sshll.u32 s8, $0x4  }
0x44: {  	s15 =	sadd.s32 $0x80, s30;
	s11 =	sadd.s32 s3, s11;
	s8 =	sand.u32 $0x1FFFFFF0, s8  }
0x45: {  	[tilespmem:s15], [sflag:$0x1] =	stream.linear.gather [hbm4b:s11+s2], $0x80, $0x38;
	[tilespmem:$0x8400] =	vst v63  }
0x46: {  	s30 =	sadd.s32 $0x80, s29;
	s8 =	sadd.s32 s4, s8  }
0x47: {  	[tilespmem:s30], [sflag:$0x1] =	stream.linear.gather [hbm4b:s8+s2], $0x80, $0x38;
	[tilespmem:$0x8400] =	vst v63  }
0x48: {  	_ =	swait.ge [sflag:s21], $0x80  }
0x49: {  	[sflag:s21] =	ssyncset.done $0x0  }
0x4a: {  	[sflag:s21] =	ssyncadd.s32 $0xFFFFFF80  }
0x4b: {  	_ =	swait.ge [sflag:s21], $0x80  }
0x4c: {  	s8 =	simm.s32 $0x7F;
	[sflag:s21] =	ssyncset.done $0x0  }
.LBB2_5:
0x4d: {  	p0 =	sne.s32 s8, $0x1;
	s8 =	sadd.s32 $0xFFFFFFFF, s8;
	[sflag:s21] =	ssyncadd.s32 $0xFFFFFF80  }
.Ltmp1:
0x4e: {  	_ =	swait.ge [sflag:s21], $0x80;
	(pc) =	sbr.rel @p0 .LBB2_5-.Ltmp1, $4  }
0x4f: {  	[sflag:s21] =	ssyncset.done $0x0  }
0x50: {  	[sflag:s21] =	ssyncadd.s32 $0xFFFFFF80  }
0x51: {  	_ =	swait.ge [sflag:s21], $0x80  }
0x52: {  	[sflag:s21] =	ssyncset.done $0x0  }
0x53: {  	s8 =	sshll.u32 s28, $0xB  }
0x54: {  	s8 =	sadd.s32 s12, s8  }
0x55: {  	[sflag:s21] =	ssyncadd.s32 $0xFFFFFF80;
	s11 =	sadd.s32 s5, s8  }
0x56: {  	[hbm4b:s11+s2] =	stream.linear.scatter [tilespmem:s31], [sflag:$0x2], $0x4000, $0x38;
	[tilespmem:$0x8400] =	vst v63  }
0x57: {  	s28 =	sadd.s32 $0x1, s28;
	_ =	swait.ge [sflag:s23], $0x4000  }
0x58: {  	p0 =	sne.s32 s28, $0x4;
	[sflag:s23] =	ssyncset.done $0x0  }
.Ltmp2:
0x59: {  	s8 =	sadd.s32 s6, s8;
	[sflag:s23] =	ssyncadd.s32 $0xFFFFC000;
	(pc) =	sbr.rel @p0 .LBB2_2-.Ltmp2, $4  }
0x5a: {  	[hbm4b:s8+s2] =	stream.linear.scatter [tilespmem:s1], [sflag:$0x2], $0x4000, $0x38;
	[tilespmem:$0x8400] =	vst v63  }
0x5b: {  	_ =	swait.ge [sflag:s23], $0x4000  }
0x5c: {  	[sflag:s23] =	ssyncset.done $0x0  }
0x5d: {  	s25 =	sadd.s32 $0x80, s25;
	s26 =	sadd.s32 $0x80, s26;
	[sflag:s23] =	ssyncadd.s32 $0xFFFFC000  }
0x5e: {  	s0 =	sadd.s32 $0x1, s0;
	s8 =	rddreg [dreg:$0x6]  }
0x5f: {  	p0 =	sne.s32 s0, s8  }
.Ltmp3:
0x60: {  	_ = 	snop;
	(pc) =	sbr.rel @p0 .LBB2_1-.Ltmp3, $1  }
0x61: {  	_ =	sdelay $0x3  }
0x62: {  	_ =	sfence.sel $0x180000  }
0x63: {  	[bflag:$0x0] =	sbarrier.arrive $0xFFFF  }
0x64: {  	_ =	strace $0x90000047  }
0x65: {  	s0 =	stileid.u32;
	[bflag:$0x2] =	sbarrier.arrive $0xFFFF  }
0x66: {  	p0 =	sne.s32 s0, $0x0;
	s0 =	rddreg [dreg:$0x3]  }
0x67: {  	s0 =	sadd.s32 @!p0 $0x100000, s0  }
0x68: {  	[sflag:s0] =	ssyncadd.tile.s32 @!p0 $0x1;
	_ =	shalt  }
.Lfunc_end2:
_tile_overlayer_lowered:
.L_overlay_start_2:
0x69: {  	(tag) =	ssettag $0x2  }
0x6a: {  	s0 =	rddreg [dreg:$0x0];
	s2 =	stileid.u32  }
0x6b: {  	s1 =	rddreg [dreg:$0x1];
	p0 =	sne.s32 s2, $0x0  }
0x6c: {  	s3 =	rddreg [dreg:$0x2];
	[bflag:$0x3] =	sbarrier.arrive $0xFFFF;
	s2 =	simm.s32 @!p0 $0x1C02  }
0x6d: {  	[timem:s3], [sflag:s2] =	dma.local @!p0 [hbm:s0], s1  }
0x6e: {  	s0 =	simm.s32 @!p0 $0x2  }
0x6f: {  	_ =	swait.ge @!p0 [sflag:s0], s1  }
0x70: {  	s1 =	ssub.s32 @!p0 $0x0, s1;
	[sflag:s0] =	ssyncset.done @!p0 $0x0  }
0x71: {  	[sflag:s0] =	ssyncadd.s32 @!p0 s1  }
0x72: {  	[bflag:$0x3] =	sbarrier.arrive $0xFFFF  }
0x73: {  	_ =	shalt  }

</sc_bundles>
